<compile_context>
chip_gen: v7x
topology: tpu7x:2x2x1
jax: 0.10.2.dev20260603
libtpu: 0.0.44.dev20260713+nightly
codegen_flags: <defaults>
</compile_context>

<pallas_src>
import jax
import jax.numpy as jnp
from jax.experimental import pallas as pl

_TIME_DIM = 128
_VAR_DIM = 64
_D = _TIME_DIM + _VAR_DIM
_DB = 96


def _assemble_kernel(pe_ref, var_ref, out_ref):
    L = pe_ref.shape[1]
    V = var_ref.shape[0]
    j = pl.program_id(1)

    @pl.when(j == 0)
    def _time_rows():
        t = pe_ref[0, :, 0:_DB].T
        out_ref[0, :, :, :] = jnp.broadcast_to(t[:, None, :], (_DB, V, L))

    @pl.when(j == 1)
    def _mixed_rows():
        rem = _TIME_DIM - _DB
        t = pe_ref[0, :, _DB:_TIME_DIM].T
        out_ref[0, 0:rem, :, :] = jnp.broadcast_to(t[:, None, :], (rem, V, L))
        var_t = var_ref[:, :].T
        out_ref[0, rem:_DB, :, :] = jnp.broadcast_to(
            var_t[:, :, None], (_VAR_DIM, V, L)
        )


def kernel(tp, var_table):
    B, L = tp.shape
    V, Dv = var_table.shape

    position = tp[:, :, None]
    div_term = 1.0 / jnp.power(
        10000.0, jnp.arange(0, _TIME_DIM, 2, dtype=jnp.float32) / _TIME_DIM
    )
    pe = jnp.zeros((B, L, _TIME_DIM), dtype=jnp.float32)
    pe = pe.at[:, :, 0::2].set(jnp.sin(position * div_term))
    pe = pe.at[:, :, 1::2].set(jnp.cos(position * div_term))

    return pl.pallas_call(
        _assemble_kernel,
        grid=(B, _D // _DB),
        in_specs=[
            pl.BlockSpec((1, L, _TIME_DIM), lambda b, j: (b, 0, 0)),
            pl.BlockSpec((V, Dv), lambda b, j: (0, 0)),
        ],
        out_specs=pl.BlockSpec((1, _DB, V, L), lambda b, j: (b, j, 0, 0)),
        out_shape=jax.ShapeDtypeStruct((B, _D, V, L), jnp.float32),
    )(pe, var_table)

# --- scband reference (transcript-rebuilt; emitter-appended) ---
"""Pipeline reference for scband-side-encoder-73280732004868 (READ-ONLY COPY).

The authoritative reference and input builder live on the scoring server;
editing this copy changes nothing except your own understanding.
"""

import jax, jax.numpy as jnp
import numpy as np

NUM_VAR = 100
VAR_DIM = 64
TIME_DIM = 128


def time_embedding(pos, d_model):
    # pos: (B, L) float32
    position = pos[:, :, None]
    div_term = 1.0 / jnp.power(10000.0, jnp.arange(0, d_model, 2, dtype=jnp.float32) / d_model)
    pe = jnp.zeros((pos.shape[0], pos.shape[1], d_model), dtype=jnp.float32)
    pe = pe.at[:, :, 0::2].set(jnp.sin(position * div_term))
    pe = pe.at[:, :, 1::2].set(jnp.cos(position * div_term))
    return pe


def setup_inputs(seed: int = 0) -> dict:
    key = jax.random.key(seed)
    k1, k2 = jax.random.split(key)
    # tp: time positions (B, L), uniform floats scaled to a realistic time range
    tp = jax.random.uniform(k1, (16, 200), dtype=jnp.float32) * 100.0
    # learned variable embedding table (num_var, var_emb_dim)
    var_table = jax.random.normal(k2, (NUM_VAR, VAR_DIM), dtype=jnp.float32) * 0.02
    return {"tp": tp, "var_table": var_table}


def reference(tp, var_table):
    B, L = tp.shape
    time_emb = time_embedding(tp, TIME_DIM)  # (B, L, Dt)
    time_emb = jnp.broadcast_to(time_emb[:, :, None, :], (B, L, NUM_VAR, TIME_DIM))
    var_ids = jnp.arange(NUM_VAR)
    var_emb = jnp.take(var_table, var_ids, axis=0)  # (V, Dv) embedding lookup
    var_emb = jnp.broadcast_to(var_emb[None, None, :, :], (B, L, NUM_VAR, VAR_DIM))
    side_emb = jnp.concatenate([time_emb, var_emb], axis=-1)  # (B, L, V, Dt+Dv)
    side_emb = jnp.transpose(side_emb, (0, 3, 2, 1))  # (B, D, V, L)
    return side_emb

if __name__ == "__main__":
    import jax
    _d = setup_inputs()
    print(jax.jit(kernel)(*tuple(_d.values())))

</pallas_src>

<mosaic_0001>
module attributes {stable_mosaic.version = 14 : i64} {
  func.func @_assemble_kernel(%arg0: i32, %arg1: i32, %arg2: memref<1x200x128xf32, #tpu.memory_space<vmem>>, %arg3: memref<100x64xf32, #tpu.memory_space<vmem>>, %arg4: memref<1x96x100x200xf32, #tpu.memory_space<vmem>>) attributes {dimension_semantics = [#tpu.dimension_semantics<arbitrary>, #tpu.dimension_semantics<arbitrary>], iteration_bounds = array<i64: 16, 2>, scalar_prefetch = 0 : i64, scratch_operands = 0 : i64, tpu.core_type = #tpu.core_type<tc>, window_params = [{transform_indices = @transform_0, window_bounds = array<i64: 1, 200, 128>}, {pipeline_mode = #tpu.pipeline_mode<synchronous>, transform_indices = @transform_1, window_bounds = array<i64: 100, 64>}, {transform_indices = @transform_2, window_bounds = array<i64: 1, 96, 100, 200>}]} {
    %eq3A = arith.constant 0 : i32
    %eq3A_0 = arith.cmpi eq, %arg1, %eq3A : i32
    %convert_element_type3A = arith.extui %eq3A_0 : i1 to i32
    %cond3A = arith.constant 0 : i32
    %cond3A_1 = arith.cmpi ne, %convert_element_type3A, %cond3A : i32
    scf.if %cond3A_1 {
      %get3A = arith.constant 0 : index
      %get3A_7 = arith.constant 0 : index
      %get3A_8 = arith.constant 0 : index
      %get3A_9 = vector.load %arg2[%get3A, %get3A_7, %get3A_8] : memref<1x200x128xf32, #tpu.memory_space<vmem>>, vector<1x200x96xf32>
      %get3A_10 = vector.shape_cast %get3A_9 : vector<1x200x96xf32> to vector<200x96xf32>
      %transpose3A = tpu.transpose %get3A_10, [1, 0] : vector<200x96xf32> -> vector<96x200xf32>
      %broadcast_in_dim3A = vector.shape_cast %transpose3A : vector<96x200xf32> to vector<96x1x200xf32>
      %broadcast_in_dim3A_11 = vector.shape_cast %broadcast_in_dim3A : vector<96x1x200xf32> to vector<96x1x200xf32>
      %broadcast_in_dim3A_12 = vector.broadcast %broadcast_in_dim3A_11 : vector<96x1x200xf32> to vector<96x100x200xf32>
      %swap3A = arith.constant 0 : index
      %swap3A_13 = arith.constant 0 : index
      %swap3A_14 = arith.constant 0 : index
      %swap3A_15 = arith.constant 0 : index
      %swap3A_16 = vector.load %arg4[%swap3A, %swap3A_13, %swap3A_14, %swap3A_15] : memref<1x96x100x200xf32, #tpu.memory_space<vmem>>, vector<1x96x100x200xf32>
      %swap3A_17 = vector.shape_cast %swap3A_16 : vector<1x96x100x200xf32> to vector<96x100x200xf32>
      %swap3A_18 = vector.shape_cast %broadcast_in_dim3A_12 : vector<96x100x200xf32> to vector<1x96x100x200xf32>
      tpu.vector_store %arg4[%swap3A, %swap3A_13, %swap3A_14, %swap3A_15], %swap3A_18 {strides = array<i32>} : memref<1x96x100x200xf32, #tpu.memory_space<vmem>>, vector<1x96x100x200xf32>,
    } else {
    }
    %eq3A_2 = arith.constant 1 : i32
    %eq3A_3 = arith.cmpi eq, %arg1, %eq3A_2 : i32
    %convert_element_type3A_4 = arith.extui %eq3A_3 : i1 to i32
    %cond3A_5 = arith.constant 0 : i32
    %cond3A_6 = arith.cmpi ne, %convert_element_type3A_4, %cond3A_5 : i32
    scf.if %cond3A_6 {
      %get3A = arith.constant 0 : index
      %get3A_7 = arith.constant 0 : index
      %get3A_8 = arith.constant 96 : index
      %get3A_9 = vector.load %arg2[%get3A, %get3A_7, %get3A_8] : memref<1x200x128xf32, #tpu.memory_space<vmem>>, vector<1x200x32xf32>
      %get3A_10 = vector.shape_cast %get3A_9 : vector<1x200x32xf32> to vector<200x32xf32>
      %transpose3A = tpu.transpose %get3A_10, [1, 0] : vector<200x32xf32> -> vector<32x200xf32>
      %broadcast_in_dim3A = vector.shape_cast %transpose3A : vector<32x200xf32> to vector<32x1x200xf32>
      %broadcast_in_dim3A_11 = vector.shape_cast %broadcast_in_dim3A : vector<32x1x200xf32> to vector<32x1x200xf32>
      %broadcast_in_dim3A_12 = vector.broadcast %broadcast_in_dim3A_11 : vector<32x1x200xf32> to vector<32x100x200xf32>
      %swap3A = arith.constant 0 : index
      %swap3A_13 = arith.constant 0 : index
      %swap3A_14 = arith.constant 0 : index
      %swap3A_15 = arith.constant 0 : index
      %swap3A_16 = vector.load %arg4[%swap3A, %swap3A_13, %swap3A_14, %swap3A_15] : memref<1x96x100x200xf32, #tpu.memory_space<vmem>>, vector<1x32x100x200xf32>
      %swap3A_17 = vector.shape_cast %swap3A_16 : vector<1x32x100x200xf32> to vector<32x100x200xf32>
      %swap3A_18 = vector.shape_cast %broadcast_in_dim3A_12 : vector<32x100x200xf32> to vector<1x32x100x200xf32>
      tpu.vector_store %arg4[%swap3A, %swap3A_13, %swap3A_14, %swap3A_15], %swap3A_18 {strides = array<i32>} : memref<1x96x100x200xf32, #tpu.memory_space<vmem>>, vector<1x32x100x200xf32>,
      %get3A_19 = arith.constant 0 : index
      %get3A_20 = arith.constant 0 : index
      %get3A_21 = vector.load %arg3[%get3A_19, %get3A_20] : memref<100x64xf32, #tpu.memory_space<vmem>>, vector<100x64xf32>
      %transpose3A_22 = tpu.transpose %get3A_21, [1, 0] : vector<100x64xf32> -> vector<64x100xf32>
      %broadcast_in_dim3A_23 = vector.shape_cast %transpose3A_22 : vector<64x100xf32> to vector<64x100x1xf32>
      %broadcast_in_dim3A_24 = vector.shape_cast %broadcast_in_dim3A_23 : vector<64x100x1xf32> to vector<64x100x1xf32>
      %broadcast_in_dim3A_25 = vector.broadcast %broadcast_in_dim3A_24 : vector<64x100x1xf32> to vector<64x100x200xf32>
      %swap3A_26 = arith.constant 0 : index
      %swap3A_27 = arith.constant 32 : index
      %swap3A_28 = arith.constant 0 : index
      %swap3A_29 = arith.constant 0 : index
      %swap3A_30 = vector.load %arg4[%swap3A_26, %swap3A_27, %swap3A_28, %swap3A_29] : memref<1x96x100x200xf32, #tpu.memory_space<vmem>>, vector<1x64x100x200xf32>
      %swap3A_31 = vector.shape_cast %swap3A_30 : vector<1x64x100x200xf32> to vector<64x100x200xf32>
      %swap3A_32 = vector.shape_cast %broadcast_in_dim3A_25 : vector<64x100x200xf32> to vector<1x64x100x200xf32>
      tpu.vector_store %arg4[%swap3A_26, %swap3A_27, %swap3A_28, %swap3A_29], %swap3A_32 {strides = array<i32>} : memref<1x96x100x200xf32, #tpu.memory_space<vmem>>, vector<1x64x100x200xf32>,
    } else {
    }
    return
  }
  func.func @transform_0(%arg0: i32, %arg1: i32) -> (i32, i32, i32) {
    %c0_i32 = arith.constant 0 : i32
    %c0_i32_0 = arith.constant 0 : i32
    %c0_i32_1 = arith.constant 0 : i32
    return %arg0, %c0_i32, %c0_i32_0 : i32, i32, i32
  }
  func.func @transform_1(%arg0: i32, %arg1: i32) -> (i32, i32) {
    %c0_i32 = arith.constant 0 : i32
    %c0_i32_0 = arith.constant 0 : i32
    %c0_i32_1 = arith.constant 0 : i32
    return %c0_i32, %c0_i32_0 : i32, i32
  }
  func.func @transform_2(%arg0: i32, %arg1: i32) -> (i32, i32, i32, i32) {
    %c0_i32 = arith.constant 0 : i32
    %c0_i32_0 = arith.constant 0 : i32
    %c0_i32_1 = arith.constant 0 : i32
    return %arg0, %arg1, %c0_i32, %c0_i32_0 : i32, i32, i32, i32
  }
}

</mosaic_0001>

<sc_bundles>
// kernel: scatter_offload_async_start.1
scs
__scs_entry_jumppad:
0x0: {  	(pc) =	sbr.rel $0x88, $3  }
0x1: {  	(tag) =	ssettag $0x0;
	lr =	simm.s32 $0x1  }
0x2: {  	[smem:$0x3F9F] =	sst lr;
	_ =	strace $0xD0000000  }
0x3: {  	_ = 	snop  }
0x4: {  	_ = 	snop  }
0x5: {  	_ = 	snop  }
0x6: {  	_ = 	snop  }
0x7: {  	_ = 	snop  }
__scs_overlays_trampoline_lowered:
0x8: {  	[smem:$0x3FAE] =	sst s0  }
0x9: {  	[smem:$0x3FAF] =	sst s1  }
0xa: {  	[smem:$0x3FB0] =	sst s2  }
0xb: {  	[smem:$0x3FB1] =	sst s3  }
0xc: {  	[smem:$0x3FB2] =	sst s4  }
0xd: {  	[smem:$0x3FB3] =	sst s5  }
0xe: {  	[smem:$0x3FB4] =	sst s6  }
0xf: {  	[smem:$0x3FB5] =	sst s7  }
0x10: {  	[smem:$0x3FB6] =	sst s8  }
0x11: {  	[smem:$0x3FB7] =	sst s9;
	s0 =	simm.s32 @!p0 $0x0  }
0x12: {  	s1 =	sld [smem:$0x3F9D];
	s0 =	simm.s32 @p0 $0x1  }
0x13: {  	[smem:$0x3FB8] =	sst s0;
	s0 =	simm.s32 @!p1 $0x0  }
0x14: {  	s2 =	sld [smem:$0x3F9C];
	s0 =	simm.s32 @p1 $0x1  }
0x15: {  	[smem:$0x3FB9] =	sst s0;
	s0 =	simm.s32 @!p2 $0x0  }
0x16: {  	s3 =	sld [smem:$0x3FDB];
	s0 =	simm.s32 @p2 $0x1  }
0x17: {  	s4 =	simm.s32 $0x1BF5;
	[smem:$0x3FBB] =	sst s0  }
0x18: {  	s0 =	sld [smem:$0x3F9E];
	_ =	swait.ge [sflag:s4], $0x0  }
0x19: {  	s7 =	sld [smem:$0x3F9F]  }
0x1a: {  	s8 =	sadd.s32 $0xFFFFE003, lr  }
0x1b: {  	s9 =	sadd.s32 $0xFFFFFEF7, lr;
	s5 =	simm.s32 $0xFFFFFFFF;
	p2 =	slt.u32 s8, $0xFFFFF086  }
0x1c: {  	p1 =	slt.u32 s9, $0xF7A;
	s5 =	simm.s32 @!p2 $0x0  }
0x1d: {  	s5 =	simm.s32 @p1 $0x1;
	p0 =	seq.s32 s7, s2  }
0x1e: {  	s7 =	smul.u32 @!p0 $0xF7A, s2;
	p2 =	seq.s32 @!p0 s5, $0x0  }
0x1f: {  	s9 =	smul.u32 $0xF7A, s1;
	s8 =	simm.s32 @!p0 $0x1BF5;
	p2 =	por !p2, p0  }
0x20: {  	[sflag:s8] =	ssyncset.s32 @!p0 $0xFFFFF086;
	s6 =	sadd.s32 @!p0 s3, s7;
	s7 =	simm.s32 @!p0 $0x108  }
0x21: {  	s3 =	sadd.s32 s3, s9;
	s6 =	sadd.s32 @!p0 $0x88, s6;
	s7 =	simm.s32 @p2 $0x1082  }
0x22: {  	[simem:s7], [sflag:s8] =	dma.local @!p0 [hbm:s6], $0xF7A  }
0x23: {  	s9 =	sor.u32 $0xD0000000, s2;
	s6 =	simm.s32 $0x108;
	_ =	swait.ge @!p0 [sflag:s8], $0x0  }
0x24: {  	s3 =	sadd.s32 $0x88, s3;
	s6 =	simm.s32 @!p1 $0x1082;
	[sflag:s4] =	ssyncset.s32 $0xFFFFF086  }
0x25: {  	[simem:s6], [sflag:s4] =	dma.local [hbm:s3], $0xF7A  }
0x26: {  	[smem:$0x3F9F] =	sst s1;
	(tag) =	ssettag s2;
	_ =	strace s9  }
0x27: {  	s1 =	sld [smem:$0x3FAF]  }
0x28: {  	s2 =	sld [smem:$0x3FB0]  }
0x29: {  	s4 =	sld [smem:$0x3FB2]  }
0x2a: {  	p0 =	seq.s32 s5, $0x0;
	s5 =	sld [smem:$0x3FB3]  }
0x2b: {  	s6 =	sld [smem:$0x3FB4]  }
0x2c: {  	s7 =	sld [smem:$0x3FB5]  }
0x2d: {  	s3 =	simm.s32 $0x108;
	s8 =	sld [smem:$0x3FB6]  }
0x2e: {  	s3 =	simm.s32 @!p0 $0x1082;
	s9 =	sld [smem:$0x3FB7]  }
0x2f: {  	lr =	sadd.s32 s0, s3;
	s0 =	sld [smem:$0x3FAE]  }
0x30: {  	s3 =	sld [smem:$0x3FB1]  }
0x31: {  	[smem:$0x3FBA] =	sst s10  }
0x32: {  	s10 =	sld [smem:$0x3FB8];
	_ =	sdelay $0x3  }
0x33: {  	p0 =	seq.s32 s10, $0x1;
	s10 =	sld [smem:$0x3FBA];
	_ =	sdelay $0x3  }
0x34: {  	[smem:$0x3FBA] =	sst s10  }
0x35: {  	s10 =	sld [smem:$0x3FB9];
	_ =	sdelay $0x3  }
0x36: {  	p1 =	seq.s32 s10, $0x1;
	s10 =	sld [smem:$0x3FBA];
	_ =	sdelay $0x3  }
0x37: {  	[smem:$0x3FBA] =	sst s10  }
0x38: {  	s10 =	sld [smem:$0x3FBB]  }
0x39: {  	_ = 	snop;
	(pc) =	sbr.ind lr, $3  }
0x3a: {  	_ = 	snop  }
0x3b: {  	_ = 	snop  }
0x3c: {  	p2 =	seq.s32 s10, $0x1;
	s10 =	sld [smem:$0x3FBA]  }
0x3d: {  	_ =	shalt  }
0x3e: {  	_ =	shalt  }
0x3f: {  	_ =	shalt  }
0x40: {  	_ =	shalt  }
0x41: {  	_ =	shalt  }
0x42: {  	_ =	shalt  }
0x43: {  	_ =	shalt  }
0x44: {  	_ =	shalt  }
0x45: {  	_ =	shalt  }
0x46: {  	_ =	shalt  }
0x47: {  	_ =	shalt  }
0x48: {  	_ =	shalt  }
0x49: {  	_ =	shalt  }
0x4a: {  	_ =	shalt  }
0x4b: {  	_ =	shalt  }
0x4c: {  	_ =	shalt  }
0x4d: {  	_ =	shalt  }
0x4e: {  	_ =	shalt  }
0x4f: {  	_ =	shalt  }
0x50: {  	_ =	shalt  }
0x51: {  	_ =	shalt  }
0x52: {  	_ =	shalt  }
0x53: {  	_ =	shalt  }
0x54: {  	_ =	shalt  }
0x55: {  	_ =	shalt  }
0x56: {  	_ =	shalt  }
0x57: {  	_ =	shalt  }
0x58: {  	_ =	shalt  }
0x59: {  	_ =	shalt  }
0x5a: {  	_ =	shalt  }
0x5b: {  	_ =	shalt  }
0x5c: {  	_ =	shalt  }
0x5d: {  	_ =	shalt  }
0x5e: {  	_ =	shalt  }
0x5f: {  	_ =	shalt  }
0x60: {  	_ =	shalt  }
0x61: {  	_ =	shalt  }
0x62: {  	_ =	shalt  }
0x63: {  	_ =	shalt  }
0x64: {  	_ =	shalt  }
0x65: {  	_ =	shalt  }
0x66: {  	_ =	shalt  }
0x67: {  	_ =	shalt  }
0x68: {  	_ =	shalt  }
0x69: {  	_ =	shalt  }
0x6a: {  	_ =	shalt  }
0x6b: {  	_ =	shalt  }
0x6c: {  	_ =	shalt  }
0x6d: {  	_ =	shalt  }
0x6e: {  	_ =	shalt  }
0x6f: {  	_ =	shalt  }
0x70: {  	_ =	shalt  }
0x71: {  	_ =	shalt  }
0x72: {  	_ =	shalt  }
0x73: {  	_ =	shalt  }
0x74: {  	_ =	shalt  }
0x75: {  	_ =	shalt  }
0x76: {  	_ =	shalt  }
0x77: {  	_ =	shalt  }
0x78: {  	_ =	shalt  }
0x79: {  	_ =	shalt  }
0x7a: {  	_ =	shalt  }
0x7b: {  	_ =	shalt  }
0x7c: {  	_ =	shalt  }
0x7d: {  	_ =	shalt  }
0x7e: {  	_ =	shalt  }
0x7f: {  	_ =	shalt  }
0x80: {  	_ =	shalt  }
0x81: {  	_ =	shalt  }
0x82: {  	_ =	shalt  }
0x83: {  	_ =	shalt  }
0x84: {  	_ =	shalt  }
0x85: {  	_ =	shalt  }
0x86: {  	_ =	shalt  }
0x87: {  	_ =	shalt  }
.Lfunc_end0:
.L_simem_size_0:
called_computation.1_lowered:
.L_overlay_start_0:
0x88: {  	s0 =	sld [smem:$0x3FD9]  }
0x89: {  	s1 =	sld [smem:$0x3FFE];
	_ =	sdelay $0x3  }
0x8a: {  	s0 =	sadd.s32 s1, s0  }
0x8b: {  	[smem:$0x3FC6] =	sst s0  }
0x8c: {  	_ = 	snop  }
0x8d: {  	s0 =	sld [smem:$0x3FD0];
	(tm) =	ssettm $0x1  }
0x8e: {  	s16 =	sld [smem:$0x3FFB];
	_ =	sdelay $0x3  }
0x8f: {  	_ =	strace s16  }
0x90: {  	s1 =	sld [smem:$0x3FFC];
	_ =	sdelay $0x3  }
0x91: {  	_ =	strace s1  }
0x92: {  	s1 =	sld [smem:$0x3FFD];
	_ =	sdelay $0x3  }
0x93: {  	_ =	strace s1  }
0x94: {  	_ =	strace $0x8FFFFFFF  }
0x95: {  	s17 =	sld [smem:$0x3FDB];
	_ =	sdelay $0x1  }
0x96: {  	s2 =	simm.s32 $_scs_section_size  }
0x97: {  	s3 =	simm.s32 $_size__tile_overlayer_lowered;
	s4 =	simm.s32 $_tile_overlayer_lowered  }
0x98: {  	s20 =	simm.s32 $0x1BFF;
	s19 =	sshll.u32 s4, $0x1;
	s1 =	sadd.s32 s2, s17  }
0x99: {  	s5 =	simm.s32 $0x0;
	s18 =	sshll.u32 s3, $0x1;
	s3 =	sadd.s32 s19, s1  }
0x9a: {  	[timem:s5], [sflag:s20] =	dma.local [hbm:s3], s18  }
0x9b: {  	_ =	swait.ge [sflag:s20], s18  }
0x9c: {  	s2 =	ssub.s32 $0x0, s18;
	[sflag:s20] =	ssyncset.done $0x0  }
0x9d: {  	[sflag:s20] =	ssyncadd.s32 s2;
	_ =	sdelay $0x1  }
0x9e: {  	s21 =	simm.s32 $0x1B8B  }
0x9f: {  	_ =	swait.ge [sflag:s21], $0x1  }
0xa0: {  	[sflag:s21] =	ssyncset.done $0x0  }
0xa1: {  	s23 =	simm.s32 $0x1B8E;
	s22 =	sld [smem:$0x3FFE];
	[sflag:s21] =	ssyncadd.s32 $0xFFFFFFFF  }
0xa2: {  	s24 =	simm.s32 $execute0_lowered;
	[smem:$0x3FD2] =	sst s23  }
0xa3: {  	s3 =	sshll.u32 s24, $0x1;
	_ =	strace $0x80000049;
	[dreg:$0x1] =	wrdreg $0xFFFFFFFF  }
0xa4: {  	s25 =	simm.s32 $_size_execute0_lowered;
	s1 =	sadd.s32 s1, s3;
	[dreg:$0x0] =	wrdreg $0x0  }
0xa5: {  	s3 =	sshll.u32 s25, $0x1;
	[dreg:$0x2] =	wrdreg s1  }
0xa6: {  	[dreg:$0x3] =	wrdreg s3  }
0xa7: {  	[dreg:$0x4] =	wrdreg $0xC0  }
0xa8: {  	_ =	task [dreg:s5], $0x5FFFF  }
0xa9: {  	[dreg:$0x1] =	wrdreg $0xFFFFFFFF  }
0xaa: {  	[dreg:$0x0] =	wrdreg $0x60  }
0xab: {  	[dreg:$0x2] =	wrdreg s0  }
0xac: {  	[dreg:$0x3] =	wrdreg s22  }
0xad: {  	[dreg:$0x4] =	wrdreg $0x9  }
0xae: {  	_ =	task.clear_ibuf [dreg:s5], $0x5FFFF;
	_ =	strace $0x90000049  }
0xaf: {  	s26 =	simm.s32 $0x9;
	_ =	strace $0x8000004B  }
0xb0: {  	_ =	swait.ge [sflag:s26], $0x1  }
0xb1: {  	[sflag:s26] =	ssyncadd.s32 $0xFFFFFFFF  }
0xb2: {  	_ =	strace $0x9000004B  }
0xb3: {  	_ =	sfence  }
0xb4: {  	s28 =	sld [smem:$0x0];
	_ =	sdelay $0x1  }
0xb5: {  	s29 =	srdreg.scid  }
0xb6: {  	s30 =	sshll.u32 s29, $0xD;
	s31 =	sshrl.u32 s29, $0x2  }
0xb7: {  	s2 =	sand.u32 $0x4000, s30;
	s1 =	sand.u32 $0x1, s29;
	s0 =	sadd.s32 s31, s28  }
0xb8: {  	s1 =	sor.u32 s2, s1;
	s0 =	sshll.u32 s0, $0x11  }
0xb9: {  	s0 =	sor.u32 s0, s1  }
0xba: {  	s0 =	sadd.s32 $0x8F2B, s0  }
0xbb: {  	[sflag:s0] =	ssyncadd.remote.s32 $0x1  }
0xbc: {  	_ =	sfence.sel $0xFFFF  }
0xbd: {  	[dreg:$0x0] =	wrdreg $0xFFFFFFFF;
	(pc) =	sbr.abs _section_cstart, $3  }
0xbe: {  	[dreg:$0x1] =	wrdreg $0xFFFFFFFF  }
0xbf: {  	_ =	task.clear_ibuf [dreg:s5], $0x2FFFF;
	_ =	strace $0x9FFFFFFF  }
0xc0: {  	(tm) =	ssettm $0x7FFFFFFF  }
0xc1: {  	_ =	shalt  }
tec
execute0_lowered:
.L_overlay_start_1:
0x0: {  	(tag) =	ssettag $0x1  }
0x1: {  	s0 =	stileid.u32  }
0x2: {  	s3 =	simm.s32 $0x10;
	s1 =	smin.u32 s0, $0x4;
	p0 =	slt.u32 s0, $0x4  }
0x3: {  	s5 =	sshll.u32 s1, $0x4;
	s3 =	simm.s32 @!p0 $0x0  }
0x4: {  	s3 =	sadd.s32 s3, s5  }
0x5: {  	s7 =	smin.u32 s3, $0x40  }
0x6: {  	s9 =	ssub.s32 s7, s5  }
0x7: {  	p0 =	sgt.s32 s9, $0x0  }
0x8: {  	s2 =	rddreg [dreg:$0x0];
	s9 =	simm.s32 @!p0 $0x0  }
0x9: {  	s4 =	rddreg [dreg:$0x1];
	s9 =	sshrl.u32 s9, $0x4  }
0xa: {  	s12 =	simm.s32 $0x0;
	s11 =	simm.s32 $0x1;
	s10 =	sadd.s32 $0x1, s9  }
0xb: {  	p2 =	por $0x0, $0x0;
	s8 =	sadd.s32 $0x800, s4;
	p0 =	sne.s32 s10, $0x1  }
.Ltmp0:
0xc: {  	s6 =	sadd.s32 $0x8A00, s4;
	s4 =	simm.s32 $0x2;
	(pc) =	sbr.rel @!p0 .LBB2_1-.Ltmp0, $4  }
0xd: {  	s1 =	rddreg [dreg:$0x2];
	_ =	strace $0x8000004A;
	s3 =	simm.s32 $0x1  }
0xe: {  	[sflag:s3] =	ssyncpa.u1 $0x0;
	(ifvalue) =	ssetifvalue $0x80000;
	p1 =	sle.u32 s9, $0x0  }
0xf: {  	[sflag:s4] =	ssyncpa.u1 $0x0;
	s13 =	sxor.u32 @!p1 $0xFFFFFFFF, s12;
	s14 =	sshrl.u32 @!p1 s5, $0x3  }
0x10: {  	s20 =	sshll.u32 @!p1 s5, $0x9;
	s17 =	sand.u32 @!p1 $0x1, s13;
	s16 =	sadd.s32 @!p1 s8, s14  }
0x11: {  	s13 =	smul.u32 @!p1 $0x32000, s17;
	s15 =	sshll.u32 @!p1 s17, $0x4;
	s17 =	sand.u32 @!p1 $0x7, s5  }
0x12: {  	[tilespmem:s15], [sflag:$0x2] =	stream.linear.gather @!p1 [hbm4b:s16+s17], $0x10, $0x38;
	[tilespmem:$0x19030] =	vst v63  }
0x13: {  	s14 =	sadd.s32 @!p1 s6, s20;
	s13 =	sshrl.u32 @!p1 s13, $0x2  }
0x14: {  	p0 =	por $0x1, $0x1;
	s15 =	simm.s32 @!p1 $0x0;
	s13 =	sor.u32 @!p1 $0x20, s13  }
0x15: {  	[tilespmem:s13], [sflag:$0x2] =	stream.linear.gather @!p1 [hbm4b:s14+s15], $0xC800, $0x38;
	[tilespmem:$0x19030] =	vst v63  }
0x16: {  	s13 =	simm.s32 @!p0 $0x2  }
0x17: {  	_ =	swait.ge @!p0 [sflag:s13], $0xC810  }
0x18: {  	s14 =	sand.u32 @!p0 $0x1, s12;
	[sflag:s13] =	ssyncset.done @!p0 $0x0  }
0x19: {  	s12 =	sshll.u32 @!p0 s14, $0x4;
	[sflag:s13] =	ssyncadd.s32 @!p0 $0xFFFF37F0  }
0x1a: {  	v0 =	vld.msk @!p0 [tilespmem:s12+$0x0 ss:$0x1], $0xffff;
	_ =	sdelay $0x2  }
0x1b: {  	p3 =	sne.s32 s10, $0x2;
	s16 =	sadd.s32 $0x10, s5  }
0x1c: {  	p2 =	slt.s32 s16, s7;
	s15 =	simm.s32 @!p0 $0x19020;
	s14 =	smul.u32 @!p0 $0x32000, s14  }
.Ltmp1:
0x1d: {  	p1 =	sle.u32 s9, $0x1;
	s13 =	simm.s32 @!p0 $0x10;
	v0 =	vshll.u32 @!p0 v0, $0xC;
	(pc) =	sbr.rel @!p3 .LBB2_3-.Ltmp1, $4  }
0x1e: {  	s17 =	sshrl.u32 @!p0 s14, $0x2;
	s14 =	smov.u32 s5;
	s12 =	simm.s32 $0x2;
	v0 =	vmin.u32 @!p0 v0, $0x80000  }
0x1f: {  	s18 =	sor.u32 @!p0 $0x20, s17;
	s14 =	smov.u32 @p2 s16;
	s16 =	sxor.u32 @!p1 $0xFFFFFFFF, s11;
	v0 =	vmulhi.u32 @!p0 $0x147AE2, v0  }
0x20: {  	p2 =	por $0x1, $0x1;
	s19 =	sshrl.u32 @!p1 s14, $0x3;
	s20 =	sshll.u32 @!p1 s14, $0x9  }
0x21: {  	s17 =	sand.u32 @!p1 $0x1, s16;
	s16 =	sadd.s32 @!p1 s8, s19;
	s19 =	simm.s32 @!p0 $0x1;
	[tilespmem:$0x19020] =	vst @!p0 v0  }
.LBB2_4:
0x22: {  	s20 =	sadd.s32 @!p1 s6, s20  }
0x23: {  	s21 =	smul.u32 @!p1 $0x32000, s17;
	(ifvalue) =	ssetifvalue @!p0 $0x80000;
	s22 =	smov.u32 s12  }
0x24: {  	[hbm:s2] =	stream.indirect.scatter @!p0 [tilespmem:s18], [sflag:$0x1], $0xC80, s15, s13, $0x40b8;
	[tilespmem:$0x19030] =	vst v63  }
0x25: {  	s12 =	sadd.s32 $0x1, s12;
	s13 =	sshrl.u32 @!p1 s21, $0x2;
	_ =	swait.ge @!p0 [sflag:s19], $0xC800  }
0x26: {  	p3 =	sne.s32 s10, s12;
	s13 =	sor.u32 @!p1 $0x20, s13;
	[sflag:s19] =	ssyncset.done @!p0 $0x0  }
0x27: {  	[sflag:s19] =	ssyncadd.s32 @!p0 $0xFFFF3800  }
0x28: {  	s15 =	sshll.u32 @!p1 s17, $0x4;
	s17 =	sand.u32 @!p1 $0x7, s14;
	[sflag:s19] =	ssyncpa.u1 @!p0 $0x1  }
0x29: {  	[tilespmem:s15], [sflag:$0x2] =	stream.linear.gather @!p1 [hbm4b:s16+s17], $0x10, $0x38;
	[tilespmem:$0x19030] =	vst v63  }
0x2a: {  	p0 =	seq.s32 s11, $0x0;
	s15 =	simm.s32 @!p1 $0x0  }
0x2b: {  	[tilespmem:s13], [sflag:$0x2] =	stream.linear.gather @!p1 [hbm4b:s20+s15], $0xC800, $0x38;
	[tilespmem:$0x19030] =	vst v63  }
0x2c: {  	s11 =	sand.u32 @!p0 $0x1, s11;
	s16 =	simm.s32 @!p0 $0x2;
	s13 =	simm.s32 @!p0 $0x10  }
0x2d: {  	s17 =	sshll.u32 @!p0 s11, $0x4;
	s18 =	smul.u32 @!p0 $0x32000, s11;
	_ =	swait.ge @!p0 [sflag:s16], $0xC810  }
0x2e: {  	s11 =	smov.u32 s22;
	s15 =	simm.s32 @!p0 $0x19020;
	[sflag:s16] =	ssyncset.done @!p0 $0x0  }
0x2f: {  	[sflag:s16] =	ssyncadd.s32 @!p0 $0xFFFF37F0;
	s16 =	sshrl.u32 @!p0 s18, $0x2  }
0x30: {  	v0 =	vld.msk @!p0 [tilespmem:s17+$0x0 ss:$0x1], $0xffff;
	s18 =	sor.u32 @!p0 $0x20, s16;
	_ =	sdelay $0x5  }
.Ltmp2:
0x31: {  	s16 =	sadd.s32 $0x10, s14;
	v0 =	vshll.u32 @!p0 v0, $0xC;
	(pc) =	sbr.rel @p3 .LBB2_4-.Ltmp2, $4  }
0x32: {  	s14 =	smov.u32 s5;
	p4 =	slt.s32 s16, s7;
	v0 =	vmin.u32 @!p0 v0, $0x80000  }
0x33: {  	p1 =	sge.u32 s11, s9;
	s14 =	smov.u32 @p4 s16;
	v0 =	vmulhi.u32 @!p0 $0x147AE2, v0  }
0x34: {  	s16 =	sxor.u32 @!p1 $0xFFFFFFFF, s11;
	s19 =	sshrl.u32 @!p1 s14, $0x3;
	s20 =	sshll.u32 @!p1 s14, $0x9  }
0x35: {  	s17 =	sand.u32 @!p1 $0x1, s16;
	s16 =	sadd.s32 @!p1 s8, s19;
	s19 =	simm.s32 @!p0 $0x1;
	[tilespmem:$0x19020] =	vst @!p0 v0  }
0x36: {  	s5 =	smov.u32 s14;
	s12 =	smov.u32 s11  }
.LBB2_6:
0x37: {  	p0 =	por p0, !p2  }
0x38: {  	(ifvalue) =	ssetifvalue @!p0 $0x80000  }
0x39: {  	[hbm:s2] =	stream.indirect.scatter @!p0 [tilespmem:s18], [sflag:$0x1], $0xC80, s15, s13, $0x40b8;
	[tilespmem:$0x19030] =	vst v63  }
0x3a: {  	_ =	swait.ge @!p0 [sflag:s19], $0xC800  }
0x3b: {  	s7 =	smul.u32 @!p1 $0x32000, s17;
	[sflag:s19] =	ssyncset.done @!p0 $0x0  }
0x3c: {  	s6 =	sadd.s32 @!p1 s6, s20;
	s8 =	sshll.u32 @!p1 s17, $0x4;
	[sflag:s19] =	ssyncadd.s32 @!p0 $0xFFFF3800  }
0x3d: {  	s5 =	sand.u32 @!p1 $0x7, s5;
	s7 =	sshrl.u32 @!p1 s7, $0x2;
	[sflag:s19] =	ssyncpa.u1 @!p0 $0x1  }
0x3e: {  	[tilespmem:s8], [sflag:$0x2] =	stream.linear.gather @!p1 [hbm4b:s16+s5], $0x10, $0x38;
	[tilespmem:$0x19030] =	vst v63  }
0x3f: {  	p0 =	seq.s32 s12, $0x0;
	s5 =	sor.u32 @!p1 $0x20, s7;
	s7 =	simm.s32 @!p1 $0x0  }
0x40: {  	[tilespmem:s5], [sflag:$0x2] =	stream.linear.gather @!p1 [hbm4b:s6+s7], $0xC800, $0x38;
	[tilespmem:$0x19030] =	vst v63  }
0x41: {  	s5 =	simm.s32 @!p0 $0x2  }
0x42: {  	_ =	swait.ge @!p0 [sflag:s5], $0xC810  }
0x43: {  	s6 =	sand.u32 @!p0 $0x1, s12;
	[sflag:s5] =	ssyncset.done @!p0 $0x0  }
0x44: {  	s7 =	sshll.u32 @!p0 s6, $0x4;
	[sflag:s5] =	ssyncadd.s32 @!p0 $0xFFFF37F0  }
0x45: {  	v0 =	vld.msk @!p0 [tilespmem:s7+$0x0 ss:$0x1], $0xffff;
	_ =	sdelay $0x4  }
0x46: {  	v0 =	vshll.u32 @!p0 v0, $0xC  }
0x47: {  	s5 =	smul.u32 @!p0 $0x32000, s6;
	v0 =	vmin.u32 @!p0 v0, $0x80000  }
0x48: {  	v0 =	vmulhi.u32 @!p0 $0x147AE2, v0  }
0x49: {  	s8 =	simm.s32 @!p0 $0x1;
	s6 =	simm.s32 @!p0 $0x10;
	s5 =	sshrl.u32 @!p0 s5, $0x2  }
0x4a: {  	s7 =	simm.s32 @!p0 $0x19020;
	s5 =	sor.u32 @!p0 $0x20, s5;
	[tilespmem:$0x19020] =	vst @!p0 v0;
	(ifvalue) =	ssetifvalue @!p0 $0x80000  }
0x4b: {  	[hbm:s2] =	stream.indirect.scatter @!p0 [tilespmem:s5], [sflag:$0x1], $0xC80, s7, s6, $0x40b8;
	[tilespmem:$0x19030] =	vst v63  }
0x4c: {  	_ =	swait.ge @!p0 [sflag:s8], $0xC800  }
0x4d: {  	[sflag:s8] =	ssyncset.done @!p0 $0x0  }
0x4e: {  	[sflag:s8] =	ssyncadd.s32 @!p0 $0xFFFF3800  }
0x4f: {  	[sflag:s8] =	ssyncpa.u1 @!p0 $0x1  }
0x50: {  	_ =	sfence.sel $0x180000  }
0x51: {  	[bflag:$0x0] =	sbarrier.arrive $0xFFFF  }
0x52: {  	[sflag:s4] =	ssyncpa.u1 $0x1  }
0x53: {  	[sflag:s3] =	ssyncpa.u1 $0x1  }
0x54: {  	p0 =	sne.s32 s0, $0x0;
	_ =	strace $0x9000004A  }
0x55: {  	s0 =	sadd.s32 @!p0 $0x100000, s1;
	[bflag:$0x2] =	sbarrier.arrive $0xFFFF  }
0x56: {  	[sflag:s0] =	ssyncadd.tile.s32 @!p0 $0x1;
	_ =	shalt  }
.LBB2_1:
.Ltmp3:
0x57: {  	(pc) =	sbr.rel .LBB2_6-.Ltmp3, $2  }
0x58: {  	_ =	sdelay $0x2  }
0x59: {  	_ = 	snop  }
.LBB2_3:
.Ltmp4:
0x5a: {  	(pc) =	sbr.rel .LBB2_6-.Ltmp4, $2  }
0x5b: {  	_ =	sdelay $0x2  }
0x5c: {  	s5 =	smov.u32 s14;
	s12 =	simm.s32 $0x1  }
.Lfunc_end2:
_tile_overlayer_lowered:
.L_overlay_start_2:
0x5d: {  	(tag) =	ssettag $0x2  }
0x5e: {  	s0 =	rddreg [dreg:$0x0];
	s2 =	stileid.u32  }
0x5f: {  	s1 =	rddreg [dreg:$0x1];
	p0 =	sne.s32 s2, $0x0  }
0x60: {  	s3 =	rddreg [dreg:$0x2];
	[bflag:$0x3] =	sbarrier.arrive $0xFFFF;
	s2 =	simm.s32 @!p0 $0x1C01  }
0x61: {  	[timem:s3], [sflag:s2] =	dma.local @!p0 [hbm:s0], s1  }
0x62: {  	s0 =	simm.s32 @!p0 $0x1  }
0x63: {  	_ =	swait.ge @!p0 [sflag:s0], s1  }
0x64: {  	s1 =	ssub.s32 @!p0 $0x0, s1;
	[sflag:s0] =	ssyncset.done @!p0 $0x0  }
0x65: {  	[sflag:s0] =	ssyncadd.s32 @!p0 s1  }
0x66: {  	[bflag:$0x3] =	sbarrier.arrive $0xFFFF  }
0x67: {  	_ =	shalt  }

// kernel: scatter_offload_async_start
scs
__scs_entry_jumppad:
0x0: {  	(pc) =	sbr.rel $0x88, $3  }
0x1: {  	(tag) =	ssettag $0x0;
	lr =	simm.s32 $0x1  }
0x2: {  	[smem:$0x3F9F] =	sst lr;
	_ =	strace $0xD0000000  }
0x3: {  	_ = 	snop  }
0x4: {  	_ = 	snop  }
0x5: {  	_ = 	snop  }
0x6: {  	_ = 	snop  }
0x7: {  	_ = 	snop  }
__scs_overlays_trampoline_lowered:
0x8: {  	[smem:$0x3FAE] =	sst s0  }
0x9: {  	[smem:$0x3FAF] =	sst s1  }
0xa: {  	[smem:$0x3FB0] =	sst s2  }
0xb: {  	[smem:$0x3FB1] =	sst s3  }
0xc: {  	[smem:$0x3FB2] =	sst s4  }
0xd: {  	[smem:$0x3FB3] =	sst s5  }
0xe: {  	[smem:$0x3FB4] =	sst s6  }
0xf: {  	[smem:$0x3FB5] =	sst s7  }
0x10: {  	[smem:$0x3FB6] =	sst s8  }
0x11: {  	[smem:$0x3FB7] =	sst s9;
	s0 =	simm.s32 @!p0 $0x0  }
0x12: {  	s1 =	sld [smem:$0x3F9D];
	s0 =	simm.s32 @p0 $0x1  }
0x13: {  	[smem:$0x3FB8] =	sst s0;
	s0 =	simm.s32 @!p1 $0x0  }
0x14: {  	s2 =	sld [smem:$0x3F9C];
	s0 =	simm.s32 @p1 $0x1  }
0x15: {  	[smem:$0x3FB9] =	sst s0;
	s0 =	simm.s32 @!p2 $0x0  }
0x16: {  	s3 =	sld [smem:$0x3FDB];
	s0 =	simm.s32 @p2 $0x1  }
0x17: {  	s4 =	simm.s32 $0x1BF5;
	[smem:$0x3FBB] =	sst s0  }
0x18: {  	s0 =	sld [smem:$0x3F9E];
	_ =	swait.ge [sflag:s4], $0x0  }
0x19: {  	s7 =	sld [smem:$0x3F9F]  }
0x1a: {  	s8 =	sadd.s32 $0xFFFFE003, lr  }
0x1b: {  	s9 =	sadd.s32 $0xFFFFFEF7, lr;
	s5 =	simm.s32 $0xFFFFFFFF;
	p2 =	slt.u32 s8, $0xFFFFF086  }
0x1c: {  	p1 =	slt.u32 s9, $0xF7A;
	s5 =	simm.s32 @!p2 $0x0  }
0x1d: {  	s5 =	simm.s32 @p1 $0x1;
	p0 =	seq.s32 s7, s2  }
0x1e: {  	s7 =	smul.u32 @!p0 $0xF7A, s2;
	p2 =	seq.s32 @!p0 s5, $0x0  }
0x1f: {  	s9 =	smul.u32 $0xF7A, s1;
	s8 =	simm.s32 @!p0 $0x1BF5;
	p2 =	por !p2, p0  }
0x20: {  	[sflag:s8] =	ssyncset.s32 @!p0 $0xFFFFF086;
	s6 =	sadd.s32 @!p0 s3, s7;
	s7 =	simm.s32 @!p0 $0x108  }
0x21: {  	s3 =	sadd.s32 s3, s9;
	s6 =	sadd.s32 @!p0 $0x88, s6;
	s7 =	simm.s32 @p2 $0x1082  }
0x22: {  	[simem:s7], [sflag:s8] =	dma.local @!p0 [hbm:s6], $0xF7A  }
0x23: {  	s9 =	sor.u32 $0xD0000000, s2;
	s6 =	simm.s32 $0x108;
	_ =	swait.ge @!p0 [sflag:s8], $0x0  }
0x24: {  	s3 =	sadd.s32 $0x88, s3;
	s6 =	simm.s32 @!p1 $0x1082;
	[sflag:s4] =	ssyncset.s32 $0xFFFFF086  }
0x25: {  	[simem:s6], [sflag:s4] =	dma.local [hbm:s3], $0xF7A  }
0x26: {  	[smem:$0x3F9F] =	sst s1;
	(tag) =	ssettag s2;
	_ =	strace s9  }
0x27: {  	s1 =	sld [smem:$0x3FAF]  }
0x28: {  	s2 =	sld [smem:$0x3FB0]  }
0x29: {  	s4 =	sld [smem:$0x3FB2]  }
0x2a: {  	p0 =	seq.s32 s5, $0x0;
	s5 =	sld [smem:$0x3FB3]  }
0x2b: {  	s6 =	sld [smem:$0x3FB4]  }
0x2c: {  	s7 =	sld [smem:$0x3FB5]  }
0x2d: {  	s3 =	simm.s32 $0x108;
	s8 =	sld [smem:$0x3FB6]  }
0x2e: {  	s3 =	simm.s32 @!p0 $0x1082;
	s9 =	sld [smem:$0x3FB7]  }
0x2f: {  	lr =	sadd.s32 s0, s3;
	s0 =	sld [smem:$0x3FAE]  }
0x30: {  	s3 =	sld [smem:$0x3FB1]  }
0x31: {  	[smem:$0x3FBA] =	sst s10  }
0x32: {  	s10 =	sld [smem:$0x3FB8];
	_ =	sdelay $0x3  }
0x33: {  	p0 =	seq.s32 s10, $0x1;
	s10 =	sld [smem:$0x3FBA];
	_ =	sdelay $0x3  }
0x34: {  	[smem:$0x3FBA] =	sst s10  }
0x35: {  	s10 =	sld [smem:$0x3FB9];
	_ =	sdelay $0x3  }
0x36: {  	p1 =	seq.s32 s10, $0x1;
	s10 =	sld [smem:$0x3FBA];
	_ =	sdelay $0x3  }
0x37: {  	[smem:$0x3FBA] =	sst s10  }
0x38: {  	s10 =	sld [smem:$0x3FBB]  }
0x39: {  	_ = 	snop;
	(pc) =	sbr.ind lr, $3  }
0x3a: {  	_ = 	snop  }
0x3b: {  	_ = 	snop  }
0x3c: {  	p2 =	seq.s32 s10, $0x1;
	s10 =	sld [smem:$0x3FBA]  }
0x3d: {  	_ =	shalt  }
0x3e: {  	_ =	shalt  }
0x3f: {  	_ =	shalt  }
0x40: {  	_ =	shalt  }
0x41: {  	_ =	shalt  }
0x42: {  	_ =	shalt  }
0x43: {  	_ =	shalt  }
0x44: {  	_ =	shalt  }
0x45: {  	_ =	shalt  }
0x46: {  	_ =	shalt  }
0x47: {  	_ =	shalt  }
0x48: {  	_ =	shalt  }
0x49: {  	_ =	shalt  }
0x4a: {  	_ =	shalt  }
0x4b: {  	_ =	shalt  }
0x4c: {  	_ =	shalt  }
0x4d: {  	_ =	shalt  }
0x4e: {  	_ =	shalt  }
0x4f: {  	_ =	shalt  }
0x50: {  	_ =	shalt  }
0x51: {  	_ =	shalt  }
0x52: {  	_ =	shalt  }
0x53: {  	_ =	shalt  }
0x54: {  	_ =	shalt  }
0x55: {  	_ =	shalt  }
0x56: {  	_ =	shalt  }
0x57: {  	_ =	shalt  }
0x58: {  	_ =	shalt  }
0x59: {  	_ =	shalt  }
0x5a: {  	_ =	shalt  }
0x5b: {  	_ =	shalt  }
0x5c: {  	_ =	shalt  }
0x5d: {  	_ =	shalt  }
0x5e: {  	_ =	shalt  }
0x5f: {  	_ =	shalt  }
0x60: {  	_ =	shalt  }
0x61: {  	_ =	shalt  }
0x62: {  	_ =	shalt  }
0x63: {  	_ =	shalt  }
0x64: {  	_ =	shalt  }
0x65: {  	_ =	shalt  }
0x66: {  	_ =	shalt  }
0x67: {  	_ =	shalt  }
0x68: {  	_ =	shalt  }
0x69: {  	_ =	shalt  }
0x6a: {  	_ =	shalt  }
0x6b: {  	_ =	shalt  }
0x6c: {  	_ =	shalt  }
0x6d: {  	_ =	shalt  }
0x6e: {  	_ =	shalt  }
0x6f: {  	_ =	shalt  }
0x70: {  	_ =	shalt  }
0x71: {  	_ =	shalt  }
0x72: {  	_ =	shalt  }
0x73: {  	_ =	shalt  }
0x74: {  	_ =	shalt  }
0x75: {  	_ =	shalt  }
0x76: {  	_ =	shalt  }
0x77: {  	_ =	shalt  }
0x78: {  	_ =	shalt  }
0x79: {  	_ =	shalt  }
0x7a: {  	_ =	shalt  }
0x7b: {  	_ =	shalt  }
0x7c: {  	_ =	shalt  }
0x7d: {  	_ =	shalt  }
0x7e: {  	_ =	shalt  }
0x7f: {  	_ =	shalt  }
0x80: {  	_ =	shalt  }
0x81: {  	_ =	shalt  }
0x82: {  	_ =	shalt  }
0x83: {  	_ =	shalt  }
0x84: {  	_ =	shalt  }
0x85: {  	_ =	shalt  }
0x86: {  	_ =	shalt  }
0x87: {  	_ =	shalt  }
.Lfunc_end0:
.L_simem_size_0:
called_computation_lowered:
.L_overlay_start_0:
0x88: {  	s0 =	sld [smem:$0x3FD9]  }
0x89: {  	s1 =	sld [smem:$0x3FFE];
	_ =	sdelay $0x3  }
0x8a: {  	s0 =	sadd.s32 s1, s0  }
0x8b: {  	[smem:$0x3FC6] =	sst s0  }
0x8c: {  	_ = 	snop  }
0x8d: {  	s0 =	sld [smem:$0x3FD0];
	(tm) =	ssettm $0x1  }
0x8e: {  	s16 =	sld [smem:$0x3FFB];
	_ =	sdelay $0x3  }
0x8f: {  	_ =	strace s16  }
0x90: {  	s1 =	sld [smem:$0x3FFC];
	_ =	sdelay $0x3  }
0x91: {  	_ =	strace s1  }
0x92: {  	s1 =	sld [smem:$0x3FFD];
	_ =	sdelay $0x3  }
0x93: {  	_ =	strace s1  }
0x94: {  	_ =	strace $0x8FFFFFFF  }
0x95: {  	s17 =	sld [smem:$0x3FDB];
	_ =	sdelay $0x1  }
0x96: {  	s2 =	simm.s32 $_scs_section_size  }
0x97: {  	s3 =	simm.s32 $_size__tile_overlayer_lowered;
	s4 =	simm.s32 $_tile_overlayer_lowered  }
0x98: {  	s20 =	simm.s32 $0x1BFF;
	s19 =	sshll.u32 s4, $0x1;
	s1 =	sadd.s32 s2, s17  }
0x99: {  	s5 =	simm.s32 $0x0;
	s18 =	sshll.u32 s3, $0x1;
	s3 =	sadd.s32 s19, s1  }
0x9a: {  	[timem:s5], [sflag:s20] =	dma.local [hbm:s3], s18  }
0x9b: {  	_ =	swait.ge [sflag:s20], s18  }
0x9c: {  	s2 =	ssub.s32 $0x0, s18;
	[sflag:s20] =	ssyncset.done $0x0  }
0x9d: {  	[sflag:s20] =	ssyncadd.s32 s2;
	_ =	sdelay $0x1  }
0x9e: {  	s21 =	simm.s32 $0x1B8B  }
0x9f: {  	_ =	swait.ge [sflag:s21], $0x1  }
0xa0: {  	[sflag:s21] =	ssyncset.done $0x0  }
0xa1: {  	s23 =	simm.s32 $0x1B8E;
	s22 =	sld [smem:$0x3FFE];
	[sflag:s21] =	ssyncadd.s32 $0xFFFFFFFF  }
0xa2: {  	s24 =	simm.s32 $execute0_lowered;
	[smem:$0x3FD2] =	sst s23  }
0xa3: {  	s3 =	sshll.u32 s24, $0x1;
	_ =	strace $0x80000046;
	[dreg:$0x1] =	wrdreg $0xFFFFFFFF  }
0xa4: {  	s25 =	simm.s32 $_size_execute0_lowered;
	s1 =	sadd.s32 s1, s3;
	[dreg:$0x0] =	wrdreg $0x0  }
0xa5: {  	s3 =	sshll.u32 s25, $0x1;
	[dreg:$0x2] =	wrdreg s1  }
0xa6: {  	[dreg:$0x3] =	wrdreg s3  }
0xa7: {  	[dreg:$0x4] =	wrdreg $0xC0  }
0xa8: {  	_ =	task [dreg:s5], $0x5FFFF  }
0xa9: {  	[dreg:$0x1] =	wrdreg $0xFFFFFFFF  }
0xaa: {  	[dreg:$0x0] =	wrdreg $0x60  }
0xab: {  	[dreg:$0x2] =	wrdreg s0  }
0xac: {  	[dreg:$0x3] =	wrdreg s22  }
0xad: {  	[dreg:$0x4] =	wrdreg $0x9  }
0xae: {  	_ =	task.clear_ibuf [dreg:s5], $0x5FFFF;
	_ =	strace $0x90000046  }
0xaf: {  	s26 =	simm.s32 $0x9;
	_ =	strace $0x80000048  }
0xb0: {  	_ =	swait.ge [sflag:s26], $0x1  }
0xb1: {  	[sflag:s26] =	ssyncadd.s32 $0xFFFFFFFF  }
0xb2: {  	_ =	strace $0x90000048  }
0xb3: {  	_ =	sfence  }
0xb4: {  	s28 =	sld [smem:$0x0];
	_ =	sdelay $0x1  }
0xb5: {  	s29 =	srdreg.scid  }
0xb6: {  	s30 =	sshll.u32 s29, $0xD;
	s31 =	sshrl.u32 s29, $0x2  }
0xb7: {  	s2 =	sand.u32 $0x4000, s30;
	s1 =	sand.u32 $0x1, s29;
	s0 =	sadd.s32 s31, s28  }
0xb8: {  	s1 =	sor.u32 s2, s1;
	s0 =	sshll.u32 s0, $0x11  }
0xb9: {  	s0 =	sor.u32 s0, s1  }
0xba: {  	s0 =	sadd.s32 $0x8F2B, s0  }
0xbb: {  	[sflag:s0] =	ssyncadd.remote.s32 $0x1  }
0xbc: {  	_ =	sfence.sel $0xFFFF  }
0xbd: {  	[dreg:$0x0] =	wrdreg $0xFFFFFFFF;
	(pc) =	sbr.abs _section_cstart, $3  }
0xbe: {  	[dreg:$0x1] =	wrdreg $0xFFFFFFFF  }
0xbf: {  	_ =	task.clear_ibuf [dreg:s5], $0x2FFFF;
	_ =	strace $0x9FFFFFFF  }
0xc0: {  	(tm) =	ssettm $0x7FFFFFFF  }
0xc1: {  	_ =	shalt  }
tec
execute0_lowered:
.L_overlay_start_1:
0x0: {  	(tag) =	ssettag $0x1  }
0x1: {  	s0 =	stileid.u32  }
0x2: {  	s3 =	simm.s32 $0x10;
	s1 =	smin.u32 s0, $0x4;
	p0 =	slt.u32 s0, $0x4  }
0x3: {  	s5 =	sshll.u32 s1, $0x4;
	s3 =	simm.s32 @!p0 $0x0  }
0x4: {  	s3 =	sadd.s32 s3, s5  }
0x5: {  	s7 =	smin.u32 s3, $0x40  }
0x6: {  	s9 =	ssub.s32 s7, s5  }
0x7: {  	p0 =	sgt.s32 s9, $0x0  }
0x8: {  	s2 =	rddreg [dreg:$0x0];
	s9 =	simm.s32 @!p0 $0x0  }
0x9: {  	s4 =	rddreg [dreg:$0x1];
	s9 =	sshrl.u32 s9, $0x4  }
0xa: {  	s12 =	simm.s32 $0x0;
	s11 =	simm.s32 $0x1;
	s10 =	sadd.s32 $0x1, s9  }
0xb: {  	p2 =	por $0x0, $0x0;
	s8 =	sadd.s32 $0x600, s4;
	p0 =	sne.s32 s10, $0x1  }
.Ltmp0:
0xc: {  	s6 =	sadd.s32 $0xA00, s4;
	s4 =	simm.s32 $0x2;
	(pc) =	sbr.rel @!p0 .LBB2_1-.Ltmp0, $4  }
0xd: {  	s1 =	rddreg [dreg:$0x2];
	_ =	strace $0x80000047;
	s3 =	simm.s32 $0x1  }
0xe: {  	[sflag:s3] =	ssyncpa.u1 $0x0;
	(ifvalue) =	ssetifvalue $0x80000;
	p1 =	sle.u32 s9, $0x0  }
0xf: {  	[sflag:s4] =	ssyncpa.u1 $0x0;
	s13 =	sxor.u32 @!p1 $0xFFFFFFFF, s12;
	s14 =	sshrl.u32 @!p1 s5, $0x3  }
0x10: {  	s20 =	sshll.u32 @!p1 s5, $0x9;
	s17 =	sand.u32 @!p1 $0x1, s13;
	s16 =	sadd.s32 @!p1 s8, s14  }
0x11: {  	s13 =	smul.u32 @!p1 $0x32000, s17;
	s15 =	sshll.u32 @!p1 s17, $0x4;
	s17 =	sand.u32 @!p1 $0x7, s5  }
0x12: {  	[tilespmem:s15], [sflag:$0x2] =	stream.linear.gather @!p1 [hbm4b:s16+s17], $0x10, $0x38;
	[tilespmem:$0x19030] =	vst v63  }
0x13: {  	s14 =	sadd.s32 @!p1 s6, s20;
	s13 =	sshrl.u32 @!p1 s13, $0x2  }
0x14: {  	p0 =	por $0x1, $0x1;
	s15 =	simm.s32 @!p1 $0x0;
	s13 =	sor.u32 @!p1 $0x20, s13  }
0x15: {  	[tilespmem:s13], [sflag:$0x2] =	stream.linear.gather @!p1 [hbm4b:s14+s15], $0xC800, $0x38;
	[tilespmem:$0x19030] =	vst v63  }
0x16: {  	s13 =	simm.s32 @!p0 $0x2  }
0x17: {  	_ =	swait.ge @!p0 [sflag:s13], $0xC810  }
0x18: {  	s14 =	sand.u32 @!p0 $0x1, s12;
	[sflag:s13] =	ssyncset.done @!p0 $0x0  }
0x19: {  	s12 =	sshll.u32 @!p0 s14, $0x4;
	[sflag:s13] =	ssyncadd.s32 @!p0 $0xFFFF37F0  }
0x1a: {  	v0 =	vld.msk @!p0 [tilespmem:s12+$0x0 ss:$0x1], $0xffff;
	_ =	sdelay $0x2  }
0x1b: {  	p3 =	sne.s32 s10, $0x2;
	s16 =	sadd.s32 $0x10, s5  }
0x1c: {  	p2 =	slt.s32 s16, s7;
	s15 =	simm.s32 @!p0 $0x19020;
	s14 =	smul.u32 @!p0 $0x32000, s14  }
.Ltmp1:
0x1d: {  	p1 =	sle.u32 s9, $0x1;
	s13 =	simm.s32 @!p0 $0x10;
	v0 =	vshll.u32 @!p0 v0, $0xC;
	(pc) =	sbr.rel @!p3 .LBB2_3-.Ltmp1, $4  }
0x1e: {  	s17 =	sshrl.u32 @!p0 s14, $0x2;
	s14 =	smov.u32 s5;
	s12 =	simm.s32 $0x2;
	v0 =	vmin.u32 @!p0 v0, $0x80000  }
0x1f: {  	s18 =	sor.u32 @!p0 $0x20, s17;
	s14 =	smov.u32 @p2 s16;
	s16 =	sxor.u32 @!p1 $0xFFFFFFFF, s11;
	v0 =	vmulhi.u32 @!p0 $0x147AE2, v0  }
0x20: {  	p2 =	por $0x1, $0x1;
	s19 =	sshrl.u32 @!p1 s14, $0x3;
	s20 =	sshll.u32 @!p1 s14, $0x9  }
0x21: {  	s17 =	sand.u32 @!p1 $0x1, s16;
	s16 =	sadd.s32 @!p1 s8, s19;
	s19 =	simm.s32 @!p0 $0x1;
	[tilespmem:$0x19020] =	vst @!p0 v0  }
.LBB2_4:
0x22: {  	s20 =	sadd.s32 @!p1 s6, s20  }
0x23: {  	s21 =	smul.u32 @!p1 $0x32000, s17;
	(ifvalue) =	ssetifvalue @!p0 $0x80000;
	s22 =	smov.u32 s12  }
0x24: {  	[hbm:s2] =	stream.indirect.scatter @!p0 [tilespmem:s18], [sflag:$0x1], $0xC80, s15, s13, $0x40b8;
	[tilespmem:$0x19030] =	vst v63  }
0x25: {  	s12 =	sadd.s32 $0x1, s12;
	s13 =	sshrl.u32 @!p1 s21, $0x2;
	_ =	swait.ge @!p0 [sflag:s19], $0xC800  }
0x26: {  	p3 =	sne.s32 s10, s12;
	s13 =	sor.u32 @!p1 $0x20, s13;
	[sflag:s19] =	ssyncset.done @!p0 $0x0  }
0x27: {  	[sflag:s19] =	ssyncadd.s32 @!p0 $0xFFFF3800  }
0x28: {  	s15 =	sshll.u32 @!p1 s17, $0x4;
	s17 =	sand.u32 @!p1 $0x7, s14;
	[sflag:s19] =	ssyncpa.u1 @!p0 $0x1  }
0x29: {  	[tilespmem:s15], [sflag:$0x2] =	stream.linear.gather @!p1 [hbm4b:s16+s17], $0x10, $0x38;
	[tilespmem:$0x19030] =	vst v63  }
0x2a: {  	p0 =	seq.s32 s11, $0x0;
	s15 =	simm.s32 @!p1 $0x0  }
0x2b: {  	[tilespmem:s13], [sflag:$0x2] =	stream.linear.gather @!p1 [hbm4b:s20+s15], $0xC800, $0x38;
	[tilespmem:$0x19030] =	vst v63  }
0x2c: {  	s11 =	sand.u32 @!p0 $0x1, s11;
	s16 =	simm.s32 @!p0 $0x2;
	s13 =	simm.s32 @!p0 $0x10  }
0x2d: {  	s17 =	sshll.u32 @!p0 s11, $0x4;
	s18 =	smul.u32 @!p0 $0x32000, s11;
	_ =	swait.ge @!p0 [sflag:s16], $0xC810  }
0x2e: {  	s11 =	smov.u32 s22;
	s15 =	simm.s32 @!p0 $0x19020;
	[sflag:s16] =	ssyncset.done @!p0 $0x0  }
0x2f: {  	[sflag:s16] =	ssyncadd.s32 @!p0 $0xFFFF37F0;
	s16 =	sshrl.u32 @!p0 s18, $0x2  }
0x30: {  	v0 =	vld.msk @!p0 [tilespmem:s17+$0x0 ss:$0x1], $0xffff;
	s18 =	sor.u32 @!p0 $0x20, s16;
	_ =	sdelay $0x5  }
.Ltmp2:
0x31: {  	s16 =	sadd.s32 $0x10, s14;
	v0 =	vshll.u32 @!p0 v0, $0xC;
	(pc) =	sbr.rel @p3 .LBB2_4-.Ltmp2, $4  }
0x32: {  	s14 =	smov.u32 s5;
	p4 =	slt.s32 s16, s7;
	v0 =	vmin.u32 @!p0 v0, $0x80000  }
0x33: {  	p1 =	sge.u32 s11, s9;
	s14 =	smov.u32 @p4 s16;
	v0 =	vmulhi.u32 @!p0 $0x147AE2, v0  }
0x34: {  	s16 =	sxor.u32 @!p1 $0xFFFFFFFF, s11;
	s19 =	sshrl.u32 @!p1 s14, $0x3;
	s20 =	sshll.u32 @!p1 s14, $0x9  }
0x35: {  	s17 =	sand.u32 @!p1 $0x1, s16;
	s16 =	sadd.s32 @!p1 s8, s19;
	s19 =	simm.s32 @!p0 $0x1;
	[tilespmem:$0x19020] =	vst @!p0 v0  }
0x36: {  	s5 =	smov.u32 s14;
	s12 =	smov.u32 s11  }
.LBB2_6:
0x37: {  	p0 =	por p0, !p2  }
0x38: {  	(ifvalue) =	ssetifvalue @!p0 $0x80000  }
0x39: {  	[hbm:s2] =	stream.indirect.scatter @!p0 [tilespmem:s18], [sflag:$0x1], $0xC80, s15, s13, $0x40b8;
	[tilespmem:$0x19030] =	vst v63  }
0x3a: {  	_ =	swait.ge @!p0 [sflag:s19], $0xC800  }
0x3b: {  	s7 =	smul.u32 @!p1 $0x32000, s17;
	[sflag:s19] =	ssyncset.done @!p0 $0x0  }
0x3c: {  	s6 =	sadd.s32 @!p1 s6, s20;
	s8 =	sshll.u32 @!p1 s17, $0x4;
	[sflag:s19] =	ssyncadd.s32 @!p0 $0xFFFF3800  }
0x3d: {  	s5 =	sand.u32 @!p1 $0x7, s5;
	s7 =	sshrl.u32 @!p1 s7, $0x2;
	[sflag:s19] =	ssyncpa.u1 @!p0 $0x1  }
0x3e: {  	[tilespmem:s8], [sflag:$0x2] =	stream.linear.gather @!p1 [hbm4b:s16+s5], $0x10, $0x38;
	[tilespmem:$0x19030] =	vst v63  }
0x3f: {  	p0 =	seq.s32 s12, $0x0;
	s5 =	sor.u32 @!p1 $0x20, s7;
	s7 =	simm.s32 @!p1 $0x0  }
0x40: {  	[tilespmem:s5], [sflag:$0x2] =	stream.linear.gather @!p1 [hbm4b:s6+s7], $0xC800, $0x38;
	[tilespmem:$0x19030] =	vst v63  }
0x41: {  	s5 =	simm.s32 @!p0 $0x2  }
0x42: {  	_ =	swait.ge @!p0 [sflag:s5], $0xC810  }
0x43: {  	s6 =	sand.u32 @!p0 $0x1, s12;
	[sflag:s5] =	ssyncset.done @!p0 $0x0  }
0x44: {  	s7 =	sshll.u32 @!p0 s6, $0x4;
	[sflag:s5] =	ssyncadd.s32 @!p0 $0xFFFF37F0  }
0x45: {  	v0 =	vld.msk @!p0 [tilespmem:s7+$0x0 ss:$0x1], $0xffff;
	_ =	sdelay $0x4  }
0x46: {  	v0 =	vshll.u32 @!p0 v0, $0xC  }
0x47: {  	s5 =	smul.u32 @!p0 $0x32000, s6;
	v0 =	vmin.u32 @!p0 v0, $0x80000  }
0x48: {  	v0 =	vmulhi.u32 @!p0 $0x147AE2, v0  }
0x49: {  	s8 =	simm.s32 @!p0 $0x1;
	s6 =	simm.s32 @!p0 $0x10;
	s5 =	sshrl.u32 @!p0 s5, $0x2  }
0x4a: {  	s7 =	simm.s32 @!p0 $0x19020;
	s5 =	sor.u32 @!p0 $0x20, s5;
	[tilespmem:$0x19020] =	vst @!p0 v0;
	(ifvalue) =	ssetifvalue @!p0 $0x80000  }
0x4b: {  	[hbm:s2] =	stream.indirect.scatter @!p0 [tilespmem:s5], [sflag:$0x1], $0xC80, s7, s6, $0x40b8;
	[tilespmem:$0x19030] =	vst v63  }
0x4c: {  	_ =	swait.ge @!p0 [sflag:s8], $0xC800  }
0x4d: {  	[sflag:s8] =	ssyncset.done @!p0 $0x0  }
0x4e: {  	[sflag:s8] =	ssyncadd.s32 @!p0 $0xFFFF3800  }
0x4f: {  	[sflag:s8] =	ssyncpa.u1 @!p0 $0x1  }
0x50: {  	_ =	sfence.sel $0x180000  }
0x51: {  	[bflag:$0x0] =	sbarrier.arrive $0xFFFF  }
0x52: {  	[sflag:s4] =	ssyncpa.u1 $0x1  }
0x53: {  	[sflag:s3] =	ssyncpa.u1 $0x1  }
0x54: {  	p0 =	sne.s32 s0, $0x0;
	_ =	strace $0x90000047  }
0x55: {  	s0 =	sadd.s32 @!p0 $0x100000, s1;
	[bflag:$0x2] =	sbarrier.arrive $0xFFFF  }
0x56: {  	[sflag:s0] =	ssyncadd.tile.s32 @!p0 $0x1;
	_ =	shalt  }
.LBB2_1:
.Ltmp3:
0x57: {  	(pc) =	sbr.rel .LBB2_6-.Ltmp3, $2  }
0x58: {  	_ =	sdelay $0x2  }
0x59: {  	_ = 	snop  }
.LBB2_3:
.Ltmp4:
0x5a: {  	(pc) =	sbr.rel .LBB2_6-.Ltmp4, $2  }
0x5b: {  	_ =	sdelay $0x2  }
0x5c: {  	s5 =	smov.u32 s14;
	s12 =	simm.s32 $0x1  }
.Lfunc_end2:
_tile_overlayer_lowered:
.L_overlay_start_2:
0x5d: {  	(tag) =	ssettag $0x2  }
0x5e: {  	s0 =	rddreg [dreg:$0x0];
	s2 =	stileid.u32  }
0x5f: {  	s1 =	rddreg [dreg:$0x1];
	p0 =	sne.s32 s2, $0x0  }
0x60: {  	s3 =	rddreg [dreg:$0x2];
	[bflag:$0x3] =	sbarrier.arrive $0xFFFF;
	s2 =	simm.s32 @!p0 $0x1C01  }
0x61: {  	[timem:s3], [sflag:s2] =	dma.local @!p0 [hbm:s0], s1  }
0x62: {  	s0 =	simm.s32 @!p0 $0x1  }
0x63: {  	_ =	swait.ge @!p0 [sflag:s0], s1  }
0x64: {  	s1 =	ssub.s32 @!p0 $0x0, s1;
	[sflag:s0] =	ssyncset.done @!p0 $0x0  }
0x65: {  	[sflag:s0] =	ssyncadd.s32 @!p0 s1  }
0x66: {  	[bflag:$0x3] =	sbarrier.arrive $0xFFFF  }
0x67: {  	_ =	shalt  }

</sc_bundles>
